<compile_context>
chip_gen: v7x
topology: tpu7x:2x2x1
jax: 0.10.2.dev20260603
libtpu: 0.0.44.dev20260713+nightly
codegen_flags: <defaults>
</compile_context>

<pallas_src>
import jax
import jax.numpy as jnp
from jax import lax
from jax.experimental import pallas as pl
from jax.experimental.pallas import tpu as pltpu
from jax.experimental.pallas import tpu_sc as plsc

F = 26
V = 100000
D = 32
B = 4096
NC = 2
NS = 16
NW = NC * NS
LANES = 16
H0 = 50048
H1 = V - H0
NG = B // LANES


def _emb_body(cat_hbm, tab_hbm, out_hbm, idx_v, row_a, row_b, out_v,
              sem_i, sem_a, sem_b, sem_o0, sem_o1):
    c_ax = lax.axis_index("c")
    s_ax = lax.axis_index("s")
    w = s_ax * NC + c_ax

    def rot(j):
        return lax.rem(j + (w >> 3), F)

    f0 = rot(0)
    pltpu.async_copy(cat_hbm.at[f0], idx_v.at[0], sem_i)
    pltpu.async_copy(tab_hbm.at[f0, w, pl.ds(0, H0)], row_a, sem_a)

    def step(j, carry):
        jp = j & 1
        f = rot(j)
        ch = f * D + w

        pltpu.async_copy(tab_hbm.at[f, w, pl.ds(H0, H1)], row_b, sem_b)
        pltpu.make_async_copy(cat_hbm.at[f], idx_v.at[jp], sem_i).wait()
        pltpu.make_async_copy(tab_hbm.at[f, w, pl.ds(0, H0)], row_a, sem_a).wait()

        @pl.when(jnp.logical_and(j >= 2, jp == 0))
        def _():
            pltpu.make_async_copy(out_v.at[0], out_hbm.at[ch], sem_o0).wait()

        @pl.when(jnp.logical_and(j >= 2, jp == 1))
        def _():
            pltpu.make_async_copy(out_v.at[1], out_hbm.at[ch], sem_o1).wait()

        def g0(k, carry2):
            iv = idx_v[jp, pl.ds(k * LANES, LANES)]
            out_v[jp, pl.ds(k * LANES, LANES)] = plsc.load_gather(
                row_a, [jnp.minimum(iv, H0 - 1)])
            return carry2

        lax.fori_loop(0, NG, g0, 0)

        @pl.when(j < F - 1)
        def _():
            fn = rot(j + 1)
            pltpu.async_copy(cat_hbm.at[fn], idx_v.at[1 - jp], sem_i)
            pltpu.async_copy(tab_hbm.at[fn, w, pl.ds(0, H0)], row_a, sem_a)

        pltpu.make_async_copy(tab_hbm.at[f, w, pl.ds(H0, H1)], row_b, sem_b).wait()

        def g1(k, carry2):
            iv = idx_v[jp, pl.ds(k * LANES, LANES)]
            g = plsc.load_gather(row_b, [jnp.maximum(iv - H0, 0)])
            prev = out_v[jp, pl.ds(k * LANES, LANES)]
            out_v[jp, pl.ds(k * LANES, LANES)] = jnp.where(iv >= H0, g, prev)
            return carry2

        lax.fori_loop(0, NG, g1, 0)

        @pl.when(jp == 0)
        def _():
            pltpu.async_copy(out_v.at[0], out_hbm.at[ch], sem_o0)

        @pl.when(jp == 1)
        def _():
            pltpu.async_copy(out_v.at[1], out_hbm.at[ch], sem_o1)

        return carry

    lax.fori_loop(0, F, step, 0)

    ch24 = rot(F - 2) * D + w
    ch25 = rot(F - 1) * D + w
    pltpu.make_async_copy(out_v.at[0], out_hbm.at[ch24], sem_o0).wait()
    pltpu.make_async_copy(out_v.at[1], out_hbm.at[ch25], sem_o1).wait()


@jax.jit
def _emb_call(cat_features, tab_t):
    mesh = plsc.VectorSubcoreMesh(core_axis_name="c", subcore_axis_name="s")
    run = pl.kernel(
        _emb_body,
        out_type=jax.ShapeDtypeStruct((F * D, B), jnp.float32),
        mesh=mesh,
        scratch_types=[
            pltpu.VMEM((2, B), jnp.int32),
            pltpu.VMEM((H0,), jnp.float32),
            pltpu.VMEM((H1,), jnp.float32),
            pltpu.VMEM((2, B), jnp.float32),
            pltpu.SemaphoreType.DMA,
            pltpu.SemaphoreType.DMA,
            pltpu.SemaphoreType.DMA,
            pltpu.SemaphoreType.DMA,
            pltpu.SemaphoreType.DMA,
        ],
        compiler_params=pltpu.CompilerParams(
            use_tc_tiling_on_sc=True, needs_layout_passes=False
        ),
    )
    return run(cat_features, tab_t)


def kernel(cat_features, tables):
    cat = cat_features.astype(jnp.int32)
    tab_t = jnp.transpose(tables, (0, 2, 1))
    out = _emb_call(cat, tab_t)
    return jnp.transpose(out, (1, 0)).reshape(B, F * D)

# --- scband reference (transcript-rebuilt; emitter-appended) ---
"""Pipeline reference for scband-embedding-66537633350098 (READ-ONLY COPY).

The authoritative reference and input builder live on the scoring server;
editing this copy changes nothing except your own understanding.
"""

import jax, jax.numpy as jnp
import numpy as np

N_FIELDS = 26
VOCAB = 100000
EMBED_DIM = 32
BATCH = 4096

def setup_inputs(seed: int = 0) -> dict:
    key = jax.random.key(seed)
    k_idx, k_tab = jax.random.split(key)
    cat_features = jax.random.randint(k_idx, (N_FIELDS, BATCH), 0, VOCAB, dtype=jnp.int64) if jax.config.jax_enable_x64 else jax.random.randint(k_idx, (N_FIELDS, BATCH), 0, VOCAB, dtype=jnp.int32)
    tables = jax.random.normal(k_tab, (N_FIELDS, VOCAB, EMBED_DIM), dtype=jnp.float32) * 0.02
    return {"cat_features": cat_features, "tables": tables}

def reference(cat_features, tables):
    # One embedding lookup per field, then concat along feature dim (torch.cat dim=1).
    # per-field gather: tables[f][cat_features[f]] -> [BATCH, EMBED_DIM]
    gathered = jax.vmap(lambda tab, idx: jnp.take(tab, idx, axis=0))(tables, cat_features)  # [F, B, D]
    out = jnp.transpose(gathered, (1, 0, 2)).reshape(cat_features.shape[1], -1)  # [B, F*D]
    return out

if __name__ == "__main__":
    import jax
    _d = setup_inputs()
    print(jax.jit(kernel)(*tuple(_d.values())))

</pallas_src>

<mosaic_0001>
#map = affine_map<(d0, d1) -> (0, 0)>
#map1 = affine_map<(d0, d1) -> (0, 0, 0)>
module attributes {stable_mosaic.version = 14 : i64} {
  func.func @_emb_body(%arg0: i32, %arg1: i32, %arg2: memref<26x4096xi32, #tpu.memory_space<hbm>>, %arg3: memref<26x32x100000xf32, #tpu.memory_space<hbm>>, %arg4: memref<832x4096xf32, #tpu.memory_space<hbm>>, %arg5: memref<2x4096xi32, #tpu.memory_space<vmem>>, %arg6: memref<50048xf32, #tpu.memory_space<vmem>>, %arg7: memref<49952xf32, #tpu.memory_space<vmem>>, %arg8: memref<2x4096xf32, #tpu.memory_space<vmem>>, %arg9: memref<!tpu.dma_semaphore, #tpu.memory_space<semaphore_mem>>, %arg10: memref<!tpu.dma_semaphore, #tpu.memory_space<semaphore_mem>>, %arg11: memref<!tpu.dma_semaphore, #tpu.memory_space<semaphore_mem>>, %arg12: memref<!tpu.dma_semaphore, #tpu.memory_space<semaphore_mem>>, %arg13: memref<!tpu.dma_semaphore, #tpu.memory_space<semaphore_mem>>) attributes {dimension_semantics = [#tpu.dimension_semantics<core_parallel>, #tpu.dimension_semantics<subcore_parallel>], iteration_bounds = array<i64: 2, 16>, scalar_prefetch = 0 : i64, scratch_operands = 9 : i64, tpu.core_type = #tpu.core_type<sc_vector_subcore>, window_params = [{transform_indices = #map}, {transform_indices = #map1}, {transform_indices = #map}]} {
    %mul3A = arith.constant 2 : i32
    %mul3A_0 = arith.muli %arg1, %mul3A : i32
    %add3A = arith.addi %mul3A_0, %arg0 : i32
    %shift_right_arithmetic3A = arith.constant 3 : i32
    %shift_right_arithmetic3A_1 = arith.shrsi %add3A, %shift_right_arithmetic3A : i32
    %add3A_2 = arith.constant 0 : i32
    %add3A_3 = arith.addi %add3A_2, %shift_right_arithmetic3A_1 : i32
    %rem3A = arith.constant 26 : i32
    %rem3A_4 = arith.remsi %add3A_3, %rem3A : i32
    %dma_start3A = arith.constant 0 : i32
    %dma_start3A_5 = arith.constant 0 : i32
    %dma_start3A_6 = tpu.memref_slice %arg5[%dma_start3A, %dma_start3A_5] : memref<2x4096xi32, #tpu.memory_space<vmem>> -> memref<1x4096xi32, #tpu.memory_space<vmem>>
    %dma_start3A_7 = tpu.memref_squeeze %dma_start3A_6 : memref<1x4096xi32, #tpu.memory_space<vmem>> -> memref<4096xi32, #tpu.memory_space<vmem>>
    %dma_start3A_8 = arith.constant 0 : i32
    %dma_start3A_9 = tpu.memref_slice %arg2[%rem3A_4, %dma_start3A_8] : memref<26x4096xi32, #tpu.memory_space<hbm>> -> memref<1x4096xi32, #tpu.memory_space<hbm>>
    %dma_start3A_10 = tpu.memref_squeeze %dma_start3A_9 : memref<1x4096xi32, #tpu.memory_space<hbm>> -> memref<4096xi32, #tpu.memory_space<hbm>>
    %dma_start3A_11 = arith.constant 0 : i32
    %dma_start3A_12 = tpu.memref_slice %arg5[%dma_start3A, %dma_start3A_11] : memref<2x4096xi32, #tpu.memory_space<vmem>> -> memref<1x4096xi32, #tpu.memory_space<vmem>>
    %dma_start3A_13 = tpu.memref_squeeze %dma_start3A_12 : memref<1x4096xi32, #tpu.memory_space<vmem>> -> memref<4096xi32, #tpu.memory_space<vmem>>
    %dma_start3A_14 = arith.constant 0 : i32
    %dma_start3A_15 = tpu.memref_slice %arg2[%rem3A_4, %dma_start3A_14] : memref<26x4096xi32, #tpu.memory_space<hbm>> -> memref<1x4096xi32, #tpu.memory_space<hbm>>
    %dma_start3A_16 = tpu.memref_squeeze %dma_start3A_15 : memref<1x4096xi32, #tpu.memory_space<hbm>> -> memref<4096xi32, #tpu.memory_space<hbm>>
    tpu.enqueue_dma source(%dma_start3A_16 : memref<4096xi32, #tpu.memory_space<hbm>>) target(%dma_start3A_13 : memref<4096xi32, #tpu.memory_space<vmem>>) target_semaphore(%arg9 : memref<!tpu.dma_semaphore, #tpu.memory_space<semaphore_mem>>)
    %dma_start3A_17 = arith.constant 0 : i32
    %dma_start3A_18 = tpu.memref_slice %arg3[%rem3A_4, %add3A, %dma_start3A_17] : memref<26x32x100000xf32, #tpu.memory_space<hbm>> -> memref<1x1x50048xf32, #tpu.memory_space<hbm>>
    %dma_start3A_19 = tpu.memref_squeeze %dma_start3A_18 : memref<1x1x50048xf32, #tpu.memory_space<hbm>> -> memref<50048xf32, #tpu.memory_space<hbm>>
    %dma_start3A_20 = arith.constant 0 : i32
    %dma_start3A_21 = tpu.memref_slice %arg3[%rem3A_4, %add3A, %dma_start3A_20] : memref<26x32x100000xf32, #tpu.memory_space<hbm>> -> memref<1x1x50048xf32, #tpu.memory_space<hbm>>
    %dma_start3A_22 = tpu.memref_squeeze %dma_start3A_21 : memref<1x1x50048xf32, #tpu.memory_space<hbm>> -> memref<50048xf32, #tpu.memory_space<hbm>>
    tpu.enqueue_dma source(%dma_start3A_22 : memref<50048xf32, #tpu.memory_space<hbm>>) target(%arg6 : memref<50048xf32, #tpu.memory_space<vmem>>) target_semaphore(%arg10 : memref<!tpu.dma_semaphore, #tpu.memory_space<semaphore_mem>>)
    %scan3A = arith.constant 0 : i32
    %scan3A_23 = arith.constant 0 : i32
    %scan3A_24 = arith.constant 26 : i32
    %scan3A_25 = arith.addi %scan3A_23, %scan3A_24 : i32
    %scan3A_26 = arith.constant 1 : i32
    scf.for %scan3A_71 = %scan3A_23 to %scan3A_25 step %scan3A_26  : i32 {
      %and3A = arith.constant 1 : i32
      %and3A_72 = arith.andi %scan3A_71, %and3A : i32
      %shift_right_arithmetic3A_73 = arith.constant 3 : i32
      %shift_right_arithmetic3A_74 = arith.shrsi %add3A, %shift_right_arithmetic3A_73 : i32
      %add3A_75 = arith.addi %scan3A_71, %shift_right_arithmetic3A_74 : i32
      %rem3A_76 = arith.constant 26 : i32
      %rem3A_77 = arith.remsi %add3A_75, %rem3A_76 : i32
      %mul3A_78 = arith.constant 32 : i32
      %mul3A_79 = arith.muli %rem3A_77, %mul3A_78 : i32
      %add3A_80 = arith.addi %mul3A_79, %add3A : i32
      %dma_start3A_81 = arith.constant 50048 : i32
      %dma_start3A_82 = tpu.memref_slice %arg3[%rem3A_77, %add3A, %dma_start3A_81] : memref<26x32x100000xf32, #tpu.memory_space<hbm>> -> memref<1x1x49952xf32, #tpu.memory_space<hbm>>
      %dma_start3A_83 = tpu.memref_squeeze %dma_start3A_82 : memref<1x1x49952xf32, #tpu.memory_space<hbm>> -> memref<49952xf32, #tpu.memory_space<hbm>>
      %dma_start3A_84 = arith.constant 50048 : i32
      %dma_start3A_85 = tpu.memref_slice %arg3[%rem3A_77, %add3A, %dma_start3A_84] : memref<26x32x100000xf32, #tpu.memory_space<hbm>> -> memref<1x1x49952xf32, #tpu.memory_space<hbm>>
      %dma_start3A_86 = tpu.memref_squeeze %dma_start3A_85 : memref<1x1x49952xf32, #tpu.memory_space<hbm>> -> memref<49952xf32, #tpu.memory_space<hbm>>
      tpu.enqueue_dma source(%dma_start3A_86 : memref<49952xf32, #tpu.memory_space<hbm>>) target(%arg7 : memref<49952xf32, #tpu.memory_space<vmem>>) target_semaphore(%arg11 : memref<!tpu.dma_semaphore, #tpu.memory_space<semaphore_mem>>)
      %dma_wait3A_87 = arith.constant 0 : i32
      %dma_wait3A_88 = tpu.memref_slice %arg5[%and3A_72, %dma_wait3A_87] : memref<2x4096xi32, #tpu.memory_space<vmem>> -> memref<1x4096xi32, #tpu.memory_space<vmem>>
      %dma_wait3A_89 = tpu.memref_squeeze %dma_wait3A_88 : memref<1x4096xi32, #tpu.memory_space<vmem>> -> memref<4096xi32, #tpu.memory_space<vmem>>
      %dma_wait3A_90 = arith.constant 0 : i32
      %dma_wait3A_91 = tpu.memref_slice %arg2[%rem3A_77, %dma_wait3A_90] : memref<26x4096xi32, #tpu.memory_space<hbm>> -> memref<1x4096xi32, #tpu.memory_space<hbm>>
      %dma_wait3A_92 = tpu.memref_squeeze %dma_wait3A_91 : memref<1x4096xi32, #tpu.memory_space<hbm>> -> memref<4096xi32, #tpu.memory_space<hbm>>
      %dma_wait3A_93 = arith.constant 0 : i32
      %dma_wait3A_94 = tpu.memref_slice %arg5[%and3A_72, %dma_wait3A_93] : memref<2x4096xi32, #tpu.memory_space<vmem>> -> memref<1x4096xi32, #tpu.memory_space<vmem>>
      %dma_wait3A_95 = tpu.memref_squeeze %dma_wait3A_94 : memref<1x4096xi32, #tpu.memory_space<vmem>> -> memref<4096xi32, #tpu.memory_space<vmem>>
      %dma_wait3A_96 = arith.constant 0 : i32
      %dma_wait3A_97 = tpu.memref_slice %arg2[%rem3A_77, %dma_wait3A_96] : memref<26x4096xi32, #tpu.memory_space<hbm>> -> memref<1x4096xi32, #tpu.memory_space<hbm>>
      %dma_wait3A_98 = tpu.memref_squeeze %dma_wait3A_97 : memref<1x4096xi32, #tpu.memory_space<hbm>> -> memref<4096xi32, #tpu.memory_space<hbm>>
      tpu.wait_dma2 semaphore(%arg9 : memref<!tpu.dma_semaphore, #tpu.memory_space<semaphore_mem>>) src(%dma_wait3A_98 : memref<4096xi32, #tpu.memory_space<hbm>>) dst(%dma_wait3A_95 : memref<4096xi32, #tpu.memory_space<vmem>>)
      %dma_wait3A_99 = arith.constant 0 : i32
      %dma_wait3A_100 = tpu.memref_slice %arg3[%rem3A_77, %add3A, %dma_wait3A_99] : memref<26x32x100000xf32, #tpu.memory_space<hbm>> -> memref<1x1x50048xf32, #tpu.memory_space<hbm>>
      %dma_wait3A_101 = tpu.memref_squeeze %dma_wait3A_100 : memref<1x1x50048xf32, #tpu.memory_space<hbm>> -> memref<50048xf32, #tpu.memory_space<hbm>>
      %dma_wait3A_102 = arith.constant 0 : i32
      %dma_wait3A_103 = tpu.memref_slice %arg3[%rem3A_77, %add3A, %dma_wait3A_102] : memref<26x32x100000xf32, #tpu.memory_space<hbm>> -> memref<1x1x50048xf32, #tpu.memory_space<hbm>>
      %dma_wait3A_104 = tpu.memref_squeeze %dma_wait3A_103 : memref<1x1x50048xf32, #tpu.memory_space<hbm>> -> memref<50048xf32, #tpu.memory_space<hbm>>
      tpu.wait_dma2 semaphore(%arg10 : memref<!tpu.dma_semaphore, #tpu.memory_space<semaphore_mem>>) src(%dma_wait3A_104 : memref<50048xf32, #tpu.memory_space<hbm>>) dst(%arg6 : memref<50048xf32, #tpu.memory_space<vmem>>)
      %ge3A = arith.constant 2 : i32
      %ge3A_105 = arith.cmpi sge, %scan3A_71, %ge3A : i32
      %eq3A = arith.constant 0 : i32
      %eq3A_106 = arith.cmpi eq, %and3A_72, %eq3A : i32
      %and3A_107 = arith.andi %ge3A_105, %eq3A_106 : i1
      %convert_element_type3A = arith.extui %and3A_107 : i1 to i32
      %cond3A = arith.constant 0 : i32
      %cond3A_108 = arith.cmpi ne, %convert_element_type3A, %cond3A : i32
      scf.if %cond3A_108 {
        %dma_wait3A_149 = arith.constant 0 : i32
        %dma_wait3A_150 = arith.constant 0 : i32
        %dma_wait3A_151 = tpu.memref_slice %arg8[%dma_wait3A_149, %dma_wait3A_150] : memref<2x4096xf32, #tpu.memory_space<vmem>> -> memref<1x4096xf32, #tpu.memory_space<vmem>>
        %dma_wait3A_152 = tpu.memref_squeeze %dma_wait3A_151 : memref<1x4096xf32, #tpu.memory_space<vmem>> -> memref<4096xf32, #tpu.memory_space<vmem>>
        %dma_wait3A_153 = arith.constant 0 : i32
        %dma_wait3A_154 = tpu.memref_slice %arg4[%add3A_80, %dma_wait3A_153] : memref<832x4096xf32, #tpu.memory_space<hbm>> -> memref<1x4096xf32, #tpu.memory_space<hbm>>
        %dma_wait3A_155 = tpu.memref_squeeze %dma_wait3A_154 : memref<1x4096xf32, #tpu.memory_space<hbm>> -> memref<4096xf32, #tpu.memory_space<hbm>>
        %dma_wait3A_156 = arith.constant 0 : i32
        %dma_wait3A_157 = tpu.memref_slice %arg4[%add3A_80, %dma_wait3A_156] : memref<832x4096xf32, #tpu.memory_space<hbm>> -> memref<1x4096xf32, #tpu.memory_space<hbm>>
        %dma_wait3A_158 = tpu.memref_squeeze %dma_wait3A_157 : memref<1x4096xf32, #tpu.memory_space<hbm>> -> memref<4096xf32, #tpu.memory_space<hbm>>
        %dma_wait3A_159 = arith.constant 0 : i32
        %dma_wait3A_160 = tpu.memref_slice %arg8[%dma_wait3A_149, %dma_wait3A_159] : memref<2x4096xf32, #tpu.memory_space<vmem>> -> memref<1x4096xf32, #tpu.memory_space<vmem>>
        %dma_wait3A_161 = tpu.memref_squeeze %dma_wait3A_160 : memref<1x4096xf32, #tpu.memory_space<vmem>> -> memref<4096xf32, #tpu.memory_space<vmem>>
        tpu.wait_dma2 semaphore(%arg12 : memref<!tpu.dma_semaphore, #tpu.memory_space<semaphore_mem>>) src(%dma_wait3A_161 : memref<4096xf32, #tpu.memory_space<vmem>>) dst(%dma_wait3A_158 : memref<4096xf32, #tpu.memory_space<hbm>>)
      } else {
      }
      %ge3A_109 = arith.constant 2 : i32
      %ge3A_110 = arith.cmpi sge, %scan3A_71, %ge3A_109 : i32
      %eq3A_111 = arith.constant 1 : i32
      %eq3A_112 = arith.cmpi eq, %and3A_72, %eq3A_111 : i32
      %and3A_113 = arith.andi %ge3A_110, %eq3A_112 : i1
      %convert_element_type3A_114 = arith.extui %and3A_113 : i1 to i32
      %cond3A_115 = arith.constant 0 : i32
      %cond3A_116 = arith.cmpi ne, %convert_element_type3A_114, %cond3A_115 : i32
      scf.if %cond3A_116 {
        %dma_wait3A_149 = arith.constant 1 : i32
        %dma_wait3A_150 = arith.constant 0 : i32
        %dma_wait3A_151 = tpu.memref_slice %arg8[%dma_wait3A_149, %dma_wait3A_150] : memref<2x4096xf32, #tpu.memory_space<vmem>> -> memref<1x4096xf32, #tpu.memory_space<vmem>>
        %dma_wait3A_152 = tpu.memref_squeeze %dma_wait3A_151 : memref<1x4096xf32, #tpu.memory_space<vmem>> -> memref<4096xf32, #tpu.memory_space<vmem>>
        %dma_wait3A_153 = arith.constant 0 : i32
        %dma_wait3A_154 = tpu.memref_slice %arg4[%add3A_80, %dma_wait3A_153] : memref<832x4096xf32, #tpu.memory_space<hbm>> -> memref<1x4096xf32, #tpu.memory_space<hbm>>
        %dma_wait3A_155 = tpu.memref_squeeze %dma_wait3A_154 : memref<1x4096xf32, #tpu.memory_space<hbm>> -> memref<4096xf32, #tpu.memory_space<hbm>>
        %dma_wait3A_156 = arith.constant 0 : i32
        %dma_wait3A_157 = tpu.memref_slice %arg4[%add3A_80, %dma_wait3A_156] : memref<832x4096xf32, #tpu.memory_space<hbm>> -> memref<1x4096xf32, #tpu.memory_space<hbm>>
        %dma_wait3A_158 = tpu.memref_squeeze %dma_wait3A_157 : memref<1x4096xf32, #tpu.memory_space<hbm>> -> memref<4096xf32, #tpu.memory_space<hbm>>
        %dma_wait3A_159 = arith.constant 0 : i32
        %dma_wait3A_160 = tpu.memref_slice %arg8[%dma_wait3A_149, %dma_wait3A_159] : memref<2x4096xf32, #tpu.memory_space<vmem>> -> memref<1x4096xf32, #tpu.memory_space<vmem>>
        %dma_wait3A_161 = tpu.memref_squeeze %dma_wait3A_160 : memref<1x4096xf32, #tpu.memory_space<vmem>> -> memref<4096xf32, #tpu.memory_space<vmem>>
        tpu.wait_dma2 semaphore(%arg13 : memref<!tpu.dma_semaphore, #tpu.memory_space<semaphore_mem>>) src(%dma_wait3A_161 : memref<4096xf32, #tpu.memory_space<vmem>>) dst(%dma_wait3A_158 : memref<4096xf32, #tpu.memory_space<hbm>>)
      } else {
      }
      %scan3A_117 = arith.constant 0 : i32
      %scan3A_118 = arith.constant 0 : i32
      %scan3A_119 = arith.constant 256 : i32
      %scan3A_120 = arith.addi %scan3A_118, %scan3A_119 : i32
      %scan3A_121 = arith.constant 1 : i32
      scf.for %scan3A_149 = %scan3A_118 to %scan3A_120 step %scan3A_121  : i32 {
        %mul3A_150 = arith.constant 16 : i32
        %mul3A_151 = arith.muli %scan3A_149, %mul3A_150 : i32
        %get3A = arith.index_cast %and3A_72 : i32 to index
        %get3A_152 = arith.index_cast %mul3A_151 : i32 to index
        %get3A_153 = tpu.vector_load %arg5[%get3A, %get3A_152] {strides = array<i32>} : memref<2x4096xi32, #tpu.memory_space<vmem>>, vector<16xi32>,
        %min3A = arith.constant 50047 : i32
        %min3A_154 = vector.broadcast %min3A : i32 to vector<16xi32>
        %min3A_155 = arith.minsi %get3A_153, %min3A_154 : vector<16xi32>
        %gather3A = tpu.vector_load_idx %arg6[%min3A_155] : memref<50048xf32, #tpu.memory_space<vmem>>[vector<16xi32>], vector<16xf32>,
        %mul3A_156 = arith.constant 16 : i32
        %mul3A_157 = arith.muli %scan3A_149, %mul3A_156 : i32
        %swap3A = arith.index_cast %and3A_72 : i32 to index
        %swap3A_158 = arith.index_cast %mul3A_157 : i32 to index
        %swap3A_159 = tpu.vector_load %arg8[%swap3A, %swap3A_158] {strides = array<i32>} : memref<2x4096xf32, #tpu.memory_space<vmem>>, vector<16xf32>,
        tpu.vector_store %arg8[%swap3A, %swap3A_158], %gather3A {strides = array<i32>} : memref<2x4096xf32, #tpu.memory_space<vmem>>, vector<16xf32>,
      }
      %scan3A_122 = arith.constant 256 : i32
      %lt3A = arith.constant 25 : i32
      %lt3A_123 = arith.cmpi slt, %scan3A_71, %lt3A : i32
      %convert_element_type3A_124 = arith.extui %lt3A_123 : i1 to i32
      %cond3A_125 = arith.constant 0 : i32
      %cond3A_126 = arith.cmpi ne, %convert_element_type3A_124, %cond3A_125 : i32
      scf.if %cond3A_126 {
        %add3A_149 = arith.constant 1 : i32
        %add3A_150 = arith.addi %scan3A_71, %add3A_149 : i32
        %shift_right_arithmetic3A_151 = arith.constant 3 : i32
        %shift_right_arithmetic3A_152 = arith.shrsi %add3A, %shift_right_arithmetic3A_151 : i32
        %add3A_153 = arith.addi %add3A_150, %shift_right_arithmetic3A_152 : i32
        %rem3A_154 = arith.constant 26 : i32
        %rem3A_155 = arith.remsi %add3A_153, %rem3A_154 : i32
        %sub3A = arith.constant 1 : i32
        %sub3A_156 = arith.subi %sub3A, %and3A_72 : i32
        %dma_start3A_157 = arith.constant 0 : i32
        %dma_start3A_158 = tpu.memref_slice %arg5[%sub3A_156, %dma_start3A_157] : memref<2x4096xi32, #tpu.memory_space<vmem>> -> memref<1x4096xi32, #tpu.memory_space<vmem>>
        %dma_start3A_159 = tpu.memref_squeeze %dma_start3A_158 : memref<1x4096xi32, #tpu.memory_space<vmem>> -> memref<4096xi32, #tpu.memory_space<vmem>>
        %dma_start3A_160 = arith.constant 0 : i32
        %dma_start3A_161 = tpu.memref_slice %arg2[%rem3A_155, %dma_start3A_160] : memref<26x4096xi32, #tpu.memory_space<hbm>> -> memref<1x4096xi32, #tpu.memory_space<hbm>>
        %dma_start3A_162 = tpu.memref_squeeze %dma_start3A_161 : memref<1x4096xi32, #tpu.memory_space<hbm>> -> memref<4096xi32, #tpu.memory_space<hbm>>
        %dma_start3A_163 = arith.constant 0 : i32
        %dma_start3A_164 = tpu.memref_slice %arg5[%sub3A_156, %dma_start3A_163] : memref<2x4096xi32, #tpu.memory_space<vmem>> -> memref<1x4096xi32, #tpu.memory_space<vmem>>
        %dma_start3A_165 = tpu.memref_squeeze %dma_start3A_164 : memref<1x4096xi32, #tpu.memory_space<vmem>> -> memref<4096xi32, #tpu.memory_space<vmem>>
        %dma_start3A_166 = arith.constant 0 : i32
        %dma_start3A_167 = tpu.memref_slice %arg2[%rem3A_155, %dma_start3A_166] : memref<26x4096xi32, #tpu.memory_space<hbm>> -> memref<1x4096xi32, #tpu.memory_space<hbm>>
        %dma_start3A_168 = tpu.memref_squeeze %dma_start3A_167 : memref<1x4096xi32, #tpu.memory_space<hbm>> -> memref<4096xi32, #tpu.memory_space<hbm>>
        tpu.enqueue_dma source(%dma_start3A_168 : memref<4096xi32, #tpu.memory_space<hbm>>) target(%dma_start3A_165 : memref<4096xi32, #tpu.memory_space<vmem>>) target_semaphore(%arg9 : memref<!tpu.dma_semaphore, #tpu.memory_space<semaphore_mem>>)
        %dma_start3A_169 = arith.constant 0 : i32
        %dma_start3A_170 = tpu.memref_slice %arg3[%rem3A_155, %add3A, %dma_start3A_169] : memref<26x32x100000xf32, #tpu.memory_space<hbm>> -> memref<1x1x50048xf32, #tpu.memory_space<hbm>>
        %dma_start3A_171 = tpu.memref_squeeze %dma_start3A_170 : memref<1x1x50048xf32, #tpu.memory_space<hbm>> -> memref<50048xf32, #tpu.memory_space<hbm>>
        %dma_start3A_172 = arith.constant 0 : i32
        %dma_start3A_173 = tpu.memref_slice %arg3[%rem3A_155, %add3A, %dma_start3A_172] : memref<26x32x100000xf32, #tpu.memory_space<hbm>> -> memref<1x1x50048xf32, #tpu.memory_space<hbm>>
        %dma_start3A_174 = tpu.memref_squeeze %dma_start3A_173 : memref<1x1x50048xf32, #tpu.memory_space<hbm>> -> memref<50048xf32, #tpu.memory_space<hbm>>
        tpu.enqueue_dma source(%dma_start3A_174 : memref<50048xf32, #tpu.memory_space<hbm>>) target(%arg6 : memref<50048xf32, #tpu.memory_space<vmem>>) target_semaphore(%arg10 : memref<!tpu.dma_semaphore, #tpu.memory_space<semaphore_mem>>)
      } else {
      }
      %dma_wait3A_127 = arith.constant 50048 : i32
      %dma_wait3A_128 = tpu.memref_slice %arg3[%rem3A_77, %add3A, %dma_wait3A_127] : memref<26x32x100000xf32, #tpu.memory_space<hbm>> -> memref<1x1x49952xf32, #tpu.memory_space<hbm>>
      %dma_wait3A_129 = tpu.memref_squeeze %dma_wait3A_128 : memref<1x1x49952xf32, #tpu.memory_space<hbm>> -> memref<49952xf32, #tpu.memory_space<hbm>>
      %dma_wait3A_130 = arith.constant 50048 : i32
      %dma_wait3A_131 = tpu.memref_slice %arg3[%rem3A_77, %add3A, %dma_wait3A_130] : memref<26x32x100000xf32, #tpu.memory_space<hbm>> -> memref<1x1x49952xf32, #tpu.memory_space<hbm>>
      %dma_wait3A_132 = tpu.memref_squeeze %dma_wait3A_131 : memref<1x1x49952xf32, #tpu.memory_space<hbm>> -> memref<49952xf32, #tpu.memory_space<hbm>>
      tpu.wait_dma2 semaphore(%arg11 : memref<!tpu.dma_semaphore, #tpu.memory_space<semaphore_mem>>) src(%dma_wait3A_132 : memref<49952xf32, #tpu.memory_space<hbm>>) dst(%arg7 : memref<49952xf32, #tpu.memory_space<vmem>>)
      %scan3A_133 = arith.constant 0 : i32
      %scan3A_134 = arith.constant 0 : i32
      %scan3A_135 = arith.constant 256 : i32
      %scan3A_136 = arith.addi %scan3A_134, %scan3A_135 : i32
      %scan3A_137 = arith.constant 1 : i32
      scf.for %scan3A_149 = %scan3A_134 to %scan3A_136 step %scan3A_137  : i32 {
        %mul3A_150 = arith.constant 16 : i32
        %mul3A_151 = arith.muli %scan3A_149, %mul3A_150 : i32
        %get3A = arith.index_cast %and3A_72 : i32 to index
        %get3A_152 = arith.index_cast %mul3A_151 : i32 to index
        %get3A_153 = tpu.vector_load %arg5[%get3A, %get3A_152] {strides = array<i32>} : memref<2x4096xi32, #tpu.memory_space<vmem>>, vector<16xi32>,
        %sub3A = arith.constant 50048 : i32
        %sub3A_154 = vector.broadcast %sub3A : i32 to vector<16xi32>
        %sub3A_155 = arith.subi %get3A_153, %sub3A_154 : vector<16xi32>
        %max3A = arith.constant 0 : i32
        %max3A_156 = vector.broadcast %max3A : i32 to vector<16xi32>
        %max3A_157 = arith.maxsi %sub3A_155, %max3A_156 : vector<16xi32>
        %gather3A = tpu.vector_load_idx %arg7[%max3A_157] : memref<49952xf32, #tpu.memory_space<vmem>>[vector<16xi32>], vector<16xf32>,
        %mul3A_158 = arith.constant 16 : i32
        %mul3A_159 = arith.muli %scan3A_149, %mul3A_158 : i32
        %get3A_160 = arith.index_cast %and3A_72 : i32 to index
        %get3A_161 = arith.index_cast %mul3A_159 : i32 to index
        %get3A_162 = tpu.vector_load %arg8[%get3A_160, %get3A_161] {strides = array<i32>} : memref<2x4096xf32, #tpu.memory_space<vmem>>, vector<16xf32>,
        %ge3A_163 = arith.constant 50048 : i32
        %ge3A_164 = vector.broadcast %ge3A_163 : i32 to vector<16xi32>
        %ge3A_165 = arith.cmpi sge, %get3A_153, %ge3A_164 : vector<16xi32>
        %select_n3A = arith.select %ge3A_165, %gather3A, %get3A_162 : vector<16xi1>, vector<16xf32>
        %mul3A_166 = arith.constant 16 : i32
        %mul3A_167 = arith.muli %scan3A_149, %mul3A_166 : i32
        %swap3A = arith.index_cast %and3A_72 : i32 to index
        %swap3A_168 = arith.index_cast %mul3A_167 : i32 to index
        %swap3A_169 = tpu.vector_load %arg8[%swap3A, %swap3A_168] {strides = array<i32>} : memref<2x4096xf32, #tpu.memory_space<vmem>>, vector<16xf32>,
        tpu.vector_store %arg8[%swap3A, %swap3A_168], %select_n3A {strides = array<i32>} : memref<2x4096xf32, #tpu.memory_space<vmem>>, vector<16xf32>,
      }
      %scan3A_138 = arith.constant 256 : i32
      %eq3A_139 = arith.constant 0 : i32
      %eq3A_140 = arith.cmpi eq, %and3A_72, %eq3A_139 : i32
      %convert_element_type3A_141 = arith.extui %eq3A_140 : i1 to i32
      %cond3A_142 = arith.constant 0 : i32
      %cond3A_143 = arith.cmpi ne, %convert_element_type3A_141, %cond3A_142 : i32
      scf.if %cond3A_143 {
        %dma_start3A_149 = arith.constant 0 : i32
        %dma_start3A_150 = arith.constant 0 : i32
        %dma_start3A_151 = tpu.memref_slice %arg8[%dma_start3A_149, %dma_start3A_150] : memref<2x4096xf32, #tpu.memory_space<vmem>> -> memref<1x4096xf32, #tpu.memory_space<vmem>>
        %dma_start3A_152 = tpu.memref_squeeze %dma_start3A_151 : memref<1x4096xf32, #tpu.memory_space<vmem>> -> memref<4096xf32, #tpu.memory_space<vmem>>
        %dma_start3A_153 = arith.constant 0 : i32
        %dma_start3A_154 = tpu.memref_slice %arg4[%add3A_80, %dma_start3A_153] : memref<832x4096xf32, #tpu.memory_space<hbm>> -> memref<1x4096xf32, #tpu.memory_space<hbm>>
        %dma_start3A_155 = tpu.memref_squeeze %dma_start3A_154 : memref<1x4096xf32, #tpu.memory_space<hbm>> -> memref<4096xf32, #tpu.memory_space<hbm>>
        %dma_start3A_156 = arith.constant 0 : i32
        %dma_start3A_157 = tpu.memref_slice %arg4[%add3A_80, %dma_start3A_156] : memref<832x4096xf32, #tpu.memory_space<hbm>> -> memref<1x4096xf32, #tpu.memory_space<hbm>>
        %dma_start3A_158 = tpu.memref_squeeze %dma_start3A_157 : memref<1x4096xf32, #tpu.memory_space<hbm>> -> memref<4096xf32, #tpu.memory_space<hbm>>
        %dma_start3A_159 = arith.constant 0 : i32
        %dma_start3A_160 = tpu.memref_slice %arg8[%dma_start3A_149, %dma_start3A_159] : memref<2x4096xf32, #tpu.memory_space<vmem>> -> memref<1x4096xf32, #tpu.memory_space<vmem>>
        %dma_start3A_161 = tpu.memref_squeeze %dma_start3A_160 : memref<1x4096xf32, #tpu.memory_space<vmem>> -> memref<4096xf32, #tpu.memory_space<vmem>>
        tpu.enqueue_dma source(%dma_start3A_161 : memref<4096xf32, #tpu.memory_space<vmem>>) target(%dma_start3A_158 : memref<4096xf32, #tpu.memory_space<hbm>>) target_semaphore(%arg12 : memref<!tpu.dma_semaphore, #tpu.memory_space<semaphore_mem>>)
      } else {
      }
      %eq3A_144 = arith.constant 1 : i32
      %eq3A_145 = arith.cmpi eq, %and3A_72, %eq3A_144 : i32
      %convert_element_type3A_146 = arith.extui %eq3A_145 : i1 to i32
      %cond3A_147 = arith.constant 0 : i32
      %cond3A_148 = arith.cmpi ne, %convert_element_type3A_146, %cond3A_147 : i32
      scf.if %cond3A_148 {
        %dma_start3A_149 = arith.constant 1 : i32
        %dma_start3A_150 = arith.constant 0 : i32
        %dma_start3A_151 = tpu.memref_slice %arg8[%dma_start3A_149, %dma_start3A_150] : memref<2x4096xf32, #tpu.memory_space<vmem>> -> memref<1x4096xf32, #tpu.memory_space<vmem>>
        %dma_start3A_152 = tpu.memref_squeeze %dma_start3A_151 : memref<1x4096xf32, #tpu.memory_space<vmem>> -> memref<4096xf32, #tpu.memory_space<vmem>>
        %dma_start3A_153 = arith.constant 0 : i32
        %dma_start3A_154 = tpu.memref_slice %arg4[%add3A_80, %dma_start3A_153] : memref<832x4096xf32, #tpu.memory_space<hbm>> -> memref<1x4096xf32, #tpu.memory_space<hbm>>
        %dma_start3A_155 = tpu.memref_squeeze %dma_start3A_154 : memref<1x4096xf32, #tpu.memory_space<hbm>> -> memref<4096xf32, #tpu.memory_space<hbm>>
        %dma_start3A_156 = arith.constant 0 : i32
        %dma_start3A_157 = tpu.memref_slice %arg4[%add3A_80, %dma_start3A_156] : memref<832x4096xf32, #tpu.memory_space<hbm>> -> memref<1x4096xf32, #tpu.memory_space<hbm>>
        %dma_start3A_158 = tpu.memref_squeeze %dma_start3A_157 : memref<1x4096xf32, #tpu.memory_space<hbm>> -> memref<4096xf32, #tpu.memory_space<hbm>>
        %dma_start3A_159 = arith.constant 0 : i32
        %dma_start3A_160 = tpu.memref_slice %arg8[%dma_start3A_149, %dma_start3A_159] : memref<2x4096xf32, #tpu.memory_space<vmem>> -> memref<1x4096xf32, #tpu.memory_space<vmem>>
        %dma_start3A_161 = tpu.memref_squeeze %dma_start3A_160 : memref<1x4096xf32, #tpu.memory_space<vmem>> -> memref<4096xf32, #tpu.memory_space<vmem>>
        tpu.enqueue_dma source(%dma_start3A_161 : memref<4096xf32, #tpu.memory_space<vmem>>) target(%dma_start3A_158 : memref<4096xf32, #tpu.memory_space<hbm>>) target_semaphore(%arg13 : memref<!tpu.dma_semaphore, #tpu.memory_space<semaphore_mem>>)
      } else {
      }
    }
    %scan3A_27 = arith.constant 26 : i32
    %shift_right_arithmetic3A_28 = arith.constant 3 : i32
    %shift_right_arithmetic3A_29 = arith.shrsi %add3A, %shift_right_arithmetic3A_28 : i32
    %add3A_30 = arith.constant 24 : i32
    %add3A_31 = arith.addi %add3A_30, %shift_right_arithmetic3A_29 : i32
    %rem3A_32 = arith.constant 26 : i32
    %rem3A_33 = arith.remsi %add3A_31, %rem3A_32 : i32
    %mul3A_34 = arith.constant 32 : i32
    %mul3A_35 = arith.muli %rem3A_33, %mul3A_34 : i32
    %add3A_36 = arith.addi %mul3A_35, %add3A : i32
    %shift_right_arithmetic3A_37 = arith.constant 3 : i32
    %shift_right_arithmetic3A_38 = arith.shrsi %add3A, %shift_right_arithmetic3A_37 : i32
    %add3A_39 = arith.constant 25 : i32
    %add3A_40 = arith.addi %add3A_39, %shift_right_arithmetic3A_38 : i32
    %rem3A_41 = arith.constant 26 : i32
    %rem3A_42 = arith.remsi %add3A_40, %rem3A_41 : i32
    %mul3A_43 = arith.constant 32 : i32
    %mul3A_44 = arith.muli %rem3A_42, %mul3A_43 : i32
    %add3A_45 = arith.addi %mul3A_44, %add3A : i32
    %dma_wait3A = arith.constant 0 : i32
    %dma_wait3A_46 = arith.constant 0 : i32
    %dma_wait3A_47 = tpu.memref_slice %arg8[%dma_wait3A, %dma_wait3A_46] : memref<2x4096xf32, #tpu.memory_space<vmem>> -> memref<1x4096xf32, #tpu.memory_space<vmem>>
    %dma_wait3A_48 = tpu.memref_squeeze %dma_wait3A_47 : memref<1x4096xf32, #tpu.memory_space<vmem>> -> memref<4096xf32, #tpu.memory_space<vmem>>
    %dma_wait3A_49 = arith.constant 0 : i32
    %dma_wait3A_50 = tpu.memref_slice %arg4[%add3A_36, %dma_wait3A_49] : memref<832x4096xf32, #tpu.memory_space<hbm>> -> memref<1x4096xf32, #tpu.memory_space<hbm>>
    %dma_wait3A_51 = tpu.memref_squeeze %dma_wait3A_50 : memref<1x4096xf32, #tpu.memory_space<hbm>> -> memref<4096xf32, #tpu.memory_space<hbm>>
    %dma_wait3A_52 = arith.constant 0 : i32
    %dma_wait3A_53 = tpu.memref_slice %arg4[%add3A_36, %dma_wait3A_52] : memref<832x4096xf32, #tpu.memory_space<hbm>> -> memref<1x4096xf32, #tpu.memory_space<hbm>>
    %dma_wait3A_54 = tpu.memref_squeeze %dma_wait3A_53 : memref<1x4096xf32, #tpu.memory_space<hbm>> -> memref<4096xf32, #tpu.memory_space<hbm>>
    %dma_wait3A_55 = arith.constant 0 : i32
    %dma_wait3A_56 = tpu.memref_slice %arg8[%dma_wait3A, %dma_wait3A_55] : memref<2x4096xf32, #tpu.memory_space<vmem>> -> memref<1x4096xf32, #tpu.memory_space<vmem>>
    %dma_wait3A_57 = tpu.memref_squeeze %dma_wait3A_56 : memref<1x4096xf32, #tpu.memory_space<vmem>> -> memref<4096xf32, #tpu.memory_space<vmem>>
    tpu.wait_dma2 semaphore(%arg12 : memref<!tpu.dma_semaphore, #tpu.memory_space<semaphore_mem>>) src(%dma_wait3A_57 : memref<4096xf32, #tpu.memory_space<vmem>>) dst(%dma_wait3A_54 : memref<4096xf32, #tpu.memory_space<hbm>>)
    %dma_wait3A_58 = arith.constant 1 : i32
    %dma_wait3A_59 = arith.constant 0 : i32
    %dma_wait3A_60 = tpu.memref_slice %arg8[%dma_wait3A_58, %dma_wait3A_59] : memref<2x4096xf32, #tpu.memory_space<vmem>> -> memref<1x4096xf32, #tpu.memory_space<vmem>>
    %dma_wait3A_61 = tpu.memref_squeeze %dma_wait3A_60 : memref<1x4096xf32, #tpu.memory_space<vmem>> -> memref<4096xf32, #tpu.memory_space<vmem>>
    %dma_wait3A_62 = arith.constant 0 : i32
    %dma_wait3A_63 = tpu.memref_slice %arg4[%add3A_45, %dma_wait3A_62] : memref<832x4096xf32, #tpu.memory_space<hbm>> -> memref<1x4096xf32, #tpu.memory_space<hbm>>
    %dma_wait3A_64 = tpu.memref_squeeze %dma_wait3A_63 : memref<1x4096xf32, #tpu.memory_space<hbm>> -> memref<4096xf32, #tpu.memory_space<hbm>>
    %dma_wait3A_65 = arith.constant 0 : i32
    %dma_wait3A_66 = tpu.memref_slice %arg4[%add3A_45, %dma_wait3A_65] : memref<832x4096xf32, #tpu.memory_space<hbm>> -> memref<1x4096xf32, #tpu.memory_space<hbm>>
    %dma_wait3A_67 = tpu.memref_squeeze %dma_wait3A_66 : memref<1x4096xf32, #tpu.memory_space<hbm>> -> memref<4096xf32, #tpu.memory_space<hbm>>
    %dma_wait3A_68 = arith.constant 0 : i32
    %dma_wait3A_69 = tpu.memref_slice %arg8[%dma_wait3A_58, %dma_wait3A_68] : memref<2x4096xf32, #tpu.memory_space<vmem>> -> memref<1x4096xf32, #tpu.memory_space<vmem>>
    %dma_wait3A_70 = tpu.memref_squeeze %dma_wait3A_69 : memref<1x4096xf32, #tpu.memory_space<vmem>> -> memref<4096xf32, #tpu.memory_space<vmem>>
    tpu.wait_dma2 semaphore(%arg13 : memref<!tpu.dma_semaphore, #tpu.memory_space<semaphore_mem>>) src(%dma_wait3A_70 : memref<4096xf32, #tpu.memory_space<vmem>>) dst(%dma_wait3A_67 : memref<4096xf32, #tpu.memory_space<hbm>>)
    return
  }
}

</mosaic_0001>

<sc_bundles>
// kernel: _emb_call.3.cloned.1.call-start
scs
__scs_entry_jumppad:
0x0: {  	(pc) =	sbr.rel $0x88, $3  }
0x1: {  	(tag) =	ssettag $0x0;
	lr =	simm.s32 $0x1  }
0x2: {  	[smem:$0x3F9F] =	sst lr;
	_ =	strace $0xD0000000  }
0x3: {  	_ = 	snop  }
0x4: {  	_ = 	snop  }
0x5: {  	_ = 	snop  }
0x6: {  	_ = 	snop  }
0x7: {  	_ = 	snop  }
__scs_overlays_trampoline_lowered:
0x8: {  	[smem:$0x3FAE] =	sst s0  }
0x9: {  	[smem:$0x3FAF] =	sst s1  }
0xa: {  	[smem:$0x3FB0] =	sst s2  }
0xb: {  	[smem:$0x3FB1] =	sst s3  }
0xc: {  	[smem:$0x3FB2] =	sst s4  }
0xd: {  	[smem:$0x3FB3] =	sst s5  }
0xe: {  	[smem:$0x3FB4] =	sst s6  }
0xf: {  	[smem:$0x3FB5] =	sst s7  }
0x10: {  	[smem:$0x3FB6] =	sst s8  }
0x11: {  	[smem:$0x3FB7] =	sst s9;
	s0 =	simm.s32 @!p0 $0x0  }
0x12: {  	s1 =	sld [smem:$0x3F9D];
	s0 =	simm.s32 @p0 $0x1  }
0x13: {  	[smem:$0x3FB8] =	sst s0;
	s0 =	simm.s32 @!p1 $0x0  }
0x14: {  	s2 =	sld [smem:$0x3F9C];
	s0 =	simm.s32 @p1 $0x1  }
0x15: {  	[smem:$0x3FB9] =	sst s0;
	s0 =	simm.s32 @!p2 $0x0  }
0x16: {  	s3 =	sld [smem:$0x3FDB];
	s0 =	simm.s32 @p2 $0x1  }
0x17: {  	s4 =	simm.s32 $0x1BF5;
	[smem:$0x3FBB] =	sst s0  }
0x18: {  	s0 =	sld [smem:$0x3F9E];
	_ =	swait.ge [sflag:s4], $0x0  }
0x19: {  	s7 =	sld [smem:$0x3F9F]  }
0x1a: {  	s8 =	sadd.s32 $0xFFFFE003, lr  }
0x1b: {  	s9 =	sadd.s32 $0xFFFFFEF7, lr;
	s5 =	simm.s32 $0xFFFFFFFF;
	p2 =	slt.u32 s8, $0xFFFFF086  }
0x1c: {  	p1 =	slt.u32 s9, $0xF7A;
	s5 =	simm.s32 @!p2 $0x0  }
0x1d: {  	s5 =	simm.s32 @p1 $0x1;
	p0 =	seq.s32 s7, s2  }
0x1e: {  	s7 =	smul.u32 @!p0 $0xF7A, s2;
	p2 =	seq.s32 @!p0 s5, $0x0  }
0x1f: {  	s9 =	smul.u32 $0xF7A, s1;
	s8 =	simm.s32 @!p0 $0x1BF5;
	p2 =	por !p2, p0  }
0x20: {  	[sflag:s8] =	ssyncset.s32 @!p0 $0xFFFFF086;
	s6 =	sadd.s32 @!p0 s3, s7;
	s7 =	simm.s32 @!p0 $0x108  }
0x21: {  	s3 =	sadd.s32 s3, s9;
	s6 =	sadd.s32 @!p0 $0x88, s6;
	s7 =	simm.s32 @p2 $0x1082  }
0x22: {  	[simem:s7], [sflag:s8] =	dma.local @!p0 [hbm:s6], $0xF7A  }
0x23: {  	s9 =	sor.u32 $0xD0000000, s2;
	s6 =	simm.s32 $0x108;
	_ =	swait.ge @!p0 [sflag:s8], $0x0  }
0x24: {  	s3 =	sadd.s32 $0x88, s3;
	s6 =	simm.s32 @!p1 $0x1082;
	[sflag:s4] =	ssyncset.s32 $0xFFFFF086  }
0x25: {  	[simem:s6], [sflag:s4] =	dma.local [hbm:s3], $0xF7A  }
0x26: {  	[smem:$0x3F9F] =	sst s1;
	(tag) =	ssettag s2;
	_ =	strace s9  }
0x27: {  	s1 =	sld [smem:$0x3FAF]  }
0x28: {  	s2 =	sld [smem:$0x3FB0]  }
0x29: {  	s4 =	sld [smem:$0x3FB2]  }
0x2a: {  	p0 =	seq.s32 s5, $0x0;
	s5 =	sld [smem:$0x3FB3]  }
0x2b: {  	s6 =	sld [smem:$0x3FB4]  }
0x2c: {  	s7 =	sld [smem:$0x3FB5]  }
0x2d: {  	s3 =	simm.s32 $0x108;
	s8 =	sld [smem:$0x3FB6]  }
0x2e: {  	s3 =	simm.s32 @!p0 $0x1082;
	s9 =	sld [smem:$0x3FB7]  }
0x2f: {  	lr =	sadd.s32 s0, s3;
	s0 =	sld [smem:$0x3FAE]  }
0x30: {  	s3 =	sld [smem:$0x3FB1]  }
0x31: {  	[smem:$0x3FBA] =	sst s10  }
0x32: {  	s10 =	sld [smem:$0x3FB8];
	_ =	sdelay $0x3  }
0x33: {  	p0 =	seq.s32 s10, $0x1;
	s10 =	sld [smem:$0x3FBA];
	_ =	sdelay $0x3  }
0x34: {  	[smem:$0x3FBA] =	sst s10  }
0x35: {  	s10 =	sld [smem:$0x3FB9];
	_ =	sdelay $0x3  }
0x36: {  	p1 =	seq.s32 s10, $0x1;
	s10 =	sld [smem:$0x3FBA];
	_ =	sdelay $0x3  }
0x37: {  	[smem:$0x3FBA] =	sst s10  }
0x38: {  	s10 =	sld [smem:$0x3FBB]  }
0x39: {  	_ = 	snop;
	(pc) =	sbr.ind lr, $3  }
0x3a: {  	_ = 	snop  }
0x3b: {  	_ = 	snop  }
0x3c: {  	p2 =	seq.s32 s10, $0x1;
	s10 =	sld [smem:$0x3FBA]  }
0x3d: {  	_ =	shalt  }
0x3e: {  	_ =	shalt  }
0x3f: {  	_ =	shalt  }
0x40: {  	_ =	shalt  }
0x41: {  	_ =	shalt  }
0x42: {  	_ =	shalt  }
0x43: {  	_ =	shalt  }
0x44: {  	_ =	shalt  }
0x45: {  	_ =	shalt  }
0x46: {  	_ =	shalt  }
0x47: {  	_ =	shalt  }
0x48: {  	_ =	shalt  }
0x49: {  	_ =	shalt  }
0x4a: {  	_ =	shalt  }
0x4b: {  	_ =	shalt  }
0x4c: {  	_ =	shalt  }
0x4d: {  	_ =	shalt  }
0x4e: {  	_ =	shalt  }
0x4f: {  	_ =	shalt  }
0x50: {  	_ =	shalt  }
0x51: {  	_ =	shalt  }
0x52: {  	_ =	shalt  }
0x53: {  	_ =	shalt  }
0x54: {  	_ =	shalt  }
0x55: {  	_ =	shalt  }
0x56: {  	_ =	shalt  }
0x57: {  	_ =	shalt  }
0x58: {  	_ =	shalt  }
0x59: {  	_ =	shalt  }
0x5a: {  	_ =	shalt  }
0x5b: {  	_ =	shalt  }
0x5c: {  	_ =	shalt  }
0x5d: {  	_ =	shalt  }
0x5e: {  	_ =	shalt  }
0x5f: {  	_ =	shalt  }
0x60: {  	_ =	shalt  }
0x61: {  	_ =	shalt  }
0x62: {  	_ =	shalt  }
0x63: {  	_ =	shalt  }
0x64: {  	_ =	shalt  }
0x65: {  	_ =	shalt  }
0x66: {  	_ =	shalt  }
0x67: {  	_ =	shalt  }
0x68: {  	_ =	shalt  }
0x69: {  	_ =	shalt  }
0x6a: {  	_ =	shalt  }
0x6b: {  	_ =	shalt  }
0x6c: {  	_ =	shalt  }
0x6d: {  	_ =	shalt  }
0x6e: {  	_ =	shalt  }
0x6f: {  	_ =	shalt  }
0x70: {  	_ =	shalt  }
0x71: {  	_ =	shalt  }
0x72: {  	_ =	shalt  }
0x73: {  	_ =	shalt  }
0x74: {  	_ =	shalt  }
0x75: {  	_ =	shalt  }
0x76: {  	_ =	shalt  }
0x77: {  	_ =	shalt  }
0x78: {  	_ =	shalt  }
0x79: {  	_ =	shalt  }
0x7a: {  	_ =	shalt  }
0x7b: {  	_ =	shalt  }
0x7c: {  	_ =	shalt  }
0x7d: {  	_ =	shalt  }
0x7e: {  	_ =	shalt  }
0x7f: {  	_ =	shalt  }
0x80: {  	_ =	shalt  }
0x81: {  	_ =	shalt  }
0x82: {  	_ =	shalt  }
0x83: {  	_ =	shalt  }
0x84: {  	_ =	shalt  }
0x85: {  	_ =	shalt  }
0x86: {  	_ =	shalt  }
0x87: {  	_ =	shalt  }
.Lfunc_end0:
.L_simem_size_0:
called_computation_lowered:
.L_overlay_start_0:
0x88: {  	s2 =	sld [smem:$0x3FD9]  }
0x89: {  	s3 =	sld [smem:$0x3FFE];
	_ =	sdelay $0x1  }
0x8a: {  	s1 =	srdreg.scid  }
0x8b: {  	s0 =	sand.u32 $0x1, s1  }
0x8c: {  	s18 =	sshll.u32 s0, $0xA;
	s2 =	sadd.s32 s3, s2  }
0x8d: {  	s2 =	sadd.s32 s2, s18  }
0x8e: {  	[smem:$0x3FC6] =	sst s2  }
0x8f: {  	_ = 	snop  }
0x90: {  	s2 =	sld [smem:$0x3FC9]  }
0x91: {  	s19 =	sld [smem:$0x3FC8]  }
0x92: {  	s4 =	sld [smem:$0x3FD0];
	(tm) =	ssettm $0x1  }
0x93: {  	s5 =	sld [smem:$0x3FFB];
	_ =	sdelay $0x3  }
0x94: {  	_ =	strace s5  }
0x95: {  	s5 =	sld [smem:$0x3FFC];
	_ =	sdelay $0x3  }
0x96: {  	_ =	strace s5  }
0x97: {  	s5 =	sld [smem:$0x3FFD];
	_ =	sdelay $0x3  }
0x98: {  	_ =	strace s5  }
0x99: {  	_ =	strace $0x8FFFFFFF  }
0x9a: {  	s20 =	sld [smem:$0x3FDB];
	_ =	sdelay $0x1  }
0x9b: {  	s6 =	simm.s32 $_scs_section_size  }
0x9c: {  	s7 =	simm.s32 $_size__tile_overlayer_lowered;
	s8 =	simm.s32 $_tile_overlayer_lowered  }
0x9d: {  	s23 =	simm.s32 $0x1BFF;
	s22 =	sshll.u32 s8, $0x1;
	s5 =	sadd.s32 s6, s20  }
0x9e: {  	s9 =	simm.s32 $0x0;
	s21 =	sshll.u32 s7, $0x1;
	s7 =	sadd.s32 s22, s5  }
0x9f: {  	[timem:s9], [sflag:s23] =	dma.local [hbm:s7], s21  }
0xa0: {  	_ =	swait.ge [sflag:s23], s21  }
0xa1: {  	s6 =	ssub.s32 $0x0, s21;
	[sflag:s23] =	ssyncset.done $0x0  }
0xa2: {  	[sflag:s23] =	ssyncadd.s32 s6;
	_ =	sdelay $0x1  }
0xa3: {  	s24 =	simm.s32 $0x1B8B  }
0xa4: {  	_ =	swait.ge [sflag:s24], $0x1  }
0xa5: {  	[sflag:s24] =	ssyncset.done $0x0  }
0xa6: {  	s25 =	simm.s32 $0x1B8E;
	[sflag:s24] =	ssyncadd.s32 $0xFFFFFFFF  }
0xa7: {  	s26 =	simm.s32 $execute0_lowered;
	[smem:$0x3FD2] =	sst s25  }
0xa8: {  	s6 =	sshll.u32 s26, $0x1;
	_ =	strace $0x80000046;
	[dreg:$0x1] =	wrdreg $0xFFFFFFFF  }
0xa9: {  	s28 =	simm.s32 $_size_execute0_lowered;
	s5 =	sadd.s32 s5, s6;
	[dreg:$0x0] =	wrdreg $0x0  }
0xaa: {  	s6 =	sshll.u32 s28, $0x1;
	[dreg:$0x2] =	wrdreg s5  }
0xab: {  	[dreg:$0x3] =	wrdreg s6  }
0xac: {  	[dreg:$0x4] =	wrdreg $0xC0  }
0xad: {  	_ =	task [dreg:s9], $0x5FFFF  }
0xae: {  	[dreg:$0x1] =	wrdreg $0xFFFFFFFF  }
0xaf: {  	[dreg:$0x0] =	wrdreg $0x60  }
0xb0: {  	[dreg:$0x2] =	wrdreg s2  }
0xb1: {  	[dreg:$0x3] =	wrdreg s19  }
0xb2: {  	[dreg:$0x4] =	wrdreg s4  }
0xb3: {  	[dreg:$0x5] =	wrdreg $0x9  }
0xb4: {  	_ =	task.clear_ibuf [dreg:s9], $0x6FFFF;
	_ =	strace $0x90000046  }
0xb5: {  	s29 =	simm.s32 $0x9;
	_ =	strace $0x80000048  }
0xb6: {  	_ =	swait.ge [sflag:s29], $0x1  }
0xb7: {  	[sflag:s29] =	ssyncadd.s32 $0xFFFFFFFF  }
0xb8: {  	_ =	strace $0x90000048  }
0xb9: {  	_ =	sfence  }
0xba: {  	s30 =	sld [smem:$0x0];
	_ =	sdelay $0x2  }
0xbb: {  	s31 =	sshll.u32 s1, $0xD;
	s1 =	sshrl.u32 s1, $0x2  }
0xbc: {  	s3 =	sand.u32 $0x4000, s31;
	s1 =	sadd.s32 s1, s30  }
0xbd: {  	s0 =	sor.u32 s3, s0;
	s1 =	sshll.u32 s1, $0x11  }
0xbe: {  	s0 =	sor.u32 s1, s0  }
0xbf: {  	s0 =	sadd.s32 $0x8F2B, s0  }
0xc0: {  	[sflag:s0] =	ssyncadd.remote.s32 $0x1  }
0xc1: {  	_ =	sfence.sel $0xFFFF  }
0xc2: {  	[dreg:$0x0] =	wrdreg $0xFFFFFFFF;
	(pc) =	sbr.abs _section_cstart, $3  }
0xc3: {  	[dreg:$0x1] =	wrdreg $0xFFFFFFFF  }
0xc4: {  	_ =	task.clear_ibuf [dreg:s9], $0x2FFFF;
	_ =	strace $0x9FFFFFFF  }
0xc5: {  	(tm) =	ssettm $0x7FFFFFFF  }
tec
execute0_lowered:
.L_overlay_start_1:
0x0: {  	(tag) =	ssettag $0x1  }
0x1: {  	s1 =	rddreg [dreg:$0x0]  }
0x2: {  	s3 =	rddreg [dreg:$0x1]  }
0x3: {  	s0 =	rddreg [dreg:$0x2]  }
0x4: {  	s2 =	srdreg.scid;
	s6 =	stileid.u32;
	s4 =	simm.s32 $0x0  }
0x5: {  	s14 =	simm.s32 $0x80;
	s15 =	simm.s32 $0x400;
	s16 =	simm.s32 $0x2000  }
0x6: {  	s17 =	simm.s32 $0xE380;
	s18 =	simm.s32 $0x1;
	s19 =	simm.s32 $0x2  }
0x7: {  	s20 =	simm.s32 $0x3;
	s21 =	simm.s32 $0x4;
	s22 =	simm.s32 $0x5  }
0x8: {  	s23 =	simm.s32 $0x0;
	s24 =	simm.s32 $0x0;
	s2 =	sand.u32 $0x1, s2  }
0x9: {  	s5 =	sshll.u32 s6, $0x1;
	[smem:$0x7FF] =	sst s4;
	s6 =	sshrl.u32 s6, $0x2  }
0xa: {  	s5 =	sor.u32 s2, s5;
	s2 =	ssub.s32 $0x2, s2;
	s8 =	smul.u32 $0x3D1800, s6  }
0xb: {  	_ =	strace $0x80000047;
	s29 =	sshll.u32 s6, $0x4;
	s7 =	sshll.u32 s5, $0x7  }
0xc: {  	s11 =	smul.u32 $0xC3800, s6;
	s9 =	sshrl.u32 s2, $0x1;
	s10 =	sand.u32 $0x380, s7  }
.Ltmp0:
0xd: {  	s30 =	sshll.u32 s5, $0x4;
	s8 =	sor.u32 s8, s10;
	(pc) =	sbr.rel .LBB2_1-.Ltmp0, $4  }
0xe: {  	s2 =	ssub.s32 s2, s9;
	s7 =	sadd.s32 s1, s29;
	s8 =	sshrl.u32 s8, $0x3  }
0xf: {  	s9 =	sor.u32 s10, s11;
	s11 =	sadd.s32 $0x1, s6;
	s8 =	sadd.s32 s3, s8  }
0x10: {  	s31 =	smax.u32 s2, $0x1;
	[dreg:$0x4] =	wrdreg s8;
	s8 =	sand.u32 $0x70, s30  }
0x11: {  	s10 =	sadd.s32 $0x61C00, s9;
	[dreg:$0x5] =	wrdreg s31;
	s12 =	sadd.s32 s0, s8  }
.LBB2_21:
0x12: {  	_ =	swait.ge [sflag:s21], $0x1000  }
0x13: {  	[sflag:s21] =	ssyncset.done $0x0  }
0x14: {  	[sflag:s21] =	ssyncadd.s32 $0xFFFFF000  }
0x15: {  	_ =	swait.ge [sflag:s22], $0x1000  }
0x16: {  	s23 =	sadd.s32 $0x1, s23;
	s0 =	rddreg [dreg:$0x5]  }
0x17: {  	p0 =	sne.s32 s23, s0  }
.Ltmp1:
0x18: {  	_ = 	snop;
	(pc) =	sbr.rel @!p0 .LBB2_22-.Ltmp1, $3  }
0x19: {  	_ =	sdelay $0x1  }
0x1a: {  	[sflag:s22] =	ssyncset.done $0x0  }
0x1b: {  	[sflag:s22] =	ssyncadd.s32 $0xFFFFF000  }
.LBB2_1:
0x1c: {  	s0 =	simm.s32 $0x80  }
0x1d: {  	s13 =	sadd.s32 $0x0, s7;
	s2 =	simm.s32 $0x100;
	s8 =	simm.s32 $0x0  }
.LBB2_2:
0x1e: {  	[tilespmem:s8], [sflag:$0x1] =	stream.linear.gather [hbm4b:s13+s4], $0x80, $0x38;
	[tilespmem:$0x1C700] =	vst v63  }
0x1f: {  	s13 =	smov.u32 s0;
	s8 =	smov.u32 s2;
	p0 =	sne.s32 s0, $0xF80  }
.Ltmp2:
0x20: {  	s0 =	sadd.s32 $0x80, s0;
	(pc) =	sbr.rel @p0 .LBB2_2-.Ltmp2, $2  }
0x21: {  	_ =	sdelay $0x2  }
0x22: {  	s2 =	sadd.s32 $0x100, s2;
	s13 =	sadd.s32 s13, s7  }
.Ltmp3:
0x23: {  	(pc) =	sbr.rel .LBB2_4-.Ltmp3, $4  }
0x24: {  	_ = 	snop  }
0x25: {  	[tilespmem:s8], [sflag:$0x1] =	stream.linear.gather [hbm4b:s13+s4], $0x80, $0x38;
	[tilespmem:$0x1C700] =	vst v63  }
0x26: {  	s0 =	rddreg [dreg:$0x4];
	s25 =	simm.s32 $0x0  }
0x27: {  	[tilespmem:s16], [sflag:$0x2] =	stream.strided.gather [hbm4b:s0+s14], $0xC380, s15, s14, $0x38;
	[tilespmem:$0x1C700] =	vst v63  }
.LBB2_20:
0x28: {  	s25 =	sadd.s32 $0x1, s25  }
0x29: {  	p0 =	sne.s32 s25, $0x1A  }
.Ltmp4:
0x2a: {  	_ = 	snop;
	(pc) =	sbr.rel @!p0 .LBB2_21-.Ltmp4, $1  }
0x2b: {  	_ =	sdelay $0x3  }
.LBB2_4:
0x2c: {  	s0 =	sadd.s32 s6, s25  }
0x2d: {  	s2 =	smulhi.u32 $0x4EC4EC4F, s0;
	_ =	sdelay $0x1  }
0x2e: {  	s2 =	sshrl.u32 s2, $0x3  }
0x2f: {  	s2 =	smul.u32 $0x1A, s2;
	_ =	sdelay $0x1  }
0x30: {  	s0 =	ssub.s32 s0, s2  }
0x31: {  	s2 =	smul.u32 $0x30E000, s0;
	_ =	sdelay $0x1  }
0x32: {  	s2 =	sadd.s32 s2, s10  }
0x33: {  	s2 =	sshrl.u32 s2, $0x3  }
0x34: {  	s2 =	sadd.s32 s3, s2  }
0x35: {  	[tilespmem:s17], [sflag:$0x3] =	stream.strided.gather [hbm4b:s2+s14], $0xC380, s15, s14, $0x38;
	[tilespmem:$0x1C700] =	vst v63  }
0x36: {  	_ =	swait.ge [sflag:s18], $0x1000  }
0x37: {  	[sflag:s18] =	ssyncset.done $0x0  }
0x38: {  	s26 =	sand.u32 $0x1, s25;
	p1 =	slt.u32 s25, $0x2;
	[sflag:s18] =	ssyncadd.s32 $0xFFFFF000  }
0x39: {  	p0 =	sne.s32 @!p1 s26, $0x0;
	_ =	swait.ge [sflag:s19], $0xC380  }
0x3a: {  	p2 =	por p0, p1;
	[sflag:s19] =	ssyncset.done $0x0  }
0x3b: {  	s2 =	simm.s32 @!p2 $0x4;
	[sflag:s19] =	ssyncadd.s32 $0xFFFF3C80  }
0x3c: {  	p0 =	seq.s32 s26, $0x1;
	_ =	swait.ge @!p2 [sflag:s2], $0x1000  }
0x3d: {  	p1 =	por !p0, p1;
	[sflag:s2] =	ssyncset.done @!p2 $0x0  }
0x3e: {  	[sflag:s2] =	ssyncadd.s32 @!p2 $0xFFFFF000;
	s2 =	simm.s32 @!p1 $0x5  }
0x3f: {  	s8 =	sand.u32 $0x70, s24;
	s13 =	sand.u32 $0x1F00, s24;
	_ =	swait.ge @!p1 [sflag:s2], $0x1000  }
0x40: {  	s29 =	sshll.u32 s26, $0x7;
	s8 =	sor.u32 s8, s13;
	[sflag:s2] =	ssyncset.done @!p1 $0x0  }
0x41: {  	s30 =	sor.u32 s29, s8;
	[sflag:s2] =	ssyncadd.s32 @!p1 $0xFFFFF000  }
0x42: {  	v0 =	vld [tilespmem:s30+$0x0];
	_ =	sdelay $0x2  }
0x43: {  	s13 =	simm.s32 $0x20;
	s8 =	simm.s32 $0x10  }
0x44: {  	s2 =	sand.u32 $0x70, s8;
	s8 =	sand.u32 $0x1F00, s13  }
0x45: {  	s2 =	sor.u32 s2, s8;
	vm0 =	vlt.s32 v0, $0xC37F  }
0x46: {  	s31 =	sor.u32 s29, s2;
	v1 =	vnsel vm0, $0xC37F, v0  }
0x47: {  	v0 =	vld [tilespmem:s31+$0x0];
	_ =	sdelay $0x1  }
0x48: {  	s0 =	sshll.u32 s0, $0x5  }
0x49: {  	s28 =	sor.u32 s5, s0;
	s0 =	simm.s32 $0x40;
	s13 =	simm.s32 $0x20  }
0x4a: {  	s8 =	sand.u32 $0x70, s13;
	s13 =	sand.u32 $0x1F00, s0;
	s2 =	simm.s32 $0x30;
	v1 =	vld.idx.msk [tilespmem:v1+s16+$0x0], $0xffff  }
.LBB2_5:
0x4b: {  	p1 =	sne.s32 s2, $0xFF0;
	s8 =	sor.u32 s8, s13;
	vm0 =	vlt.s32 v0, $0xC37F  }
0x4c: {  	s8 =	sor.u32 s29, s8;
	v2 =	vnsel vm0, $0xC37F, v0  }
.Ltmp5:
0x4d: {  	v0 =	vld [tilespmem:s8+$0x0];
	(pc) =	sbr.rel @p1 .LBB2_5-.Ltmp5, $3  }
0x4e: {  	_ =	sdelay $0x1  }
0x4f: {  	s0 =	sadd.s32 $0x20, s0;
	[tilespmem:s30+$0x1A700] =	vst v1;
	s30 =	smov.u32 s31;
	s31 =	smov.u32 s8  }
0x50: {  	s13 =	sand.u32 $0x1F00, s0;
	s8 =	sand.u32 $0x70, s2;
	s2 =	sadd.s32 $0x10, s2;
	v1 =	vld.idx.msk [tilespmem:v2+s16+$0x0], $0xffff  }
0x51: {  	s0 =	sor.u32 s8, s13  }
0x52: {  	vm0 =	vlt.s32 v0, $0xC37F;
	s0 =	sor.u32 s29, s0  }
0x53: {  	v0 =	vnsel vm0, $0xC37F, v0;
	v2 =	vld [tilespmem:s0+$0x0];
	_ =	sdelay $0x3  }
0x54: {  	[tilespmem:s30+$0x1A700] =	vst v1  }
0x55: {  	v0 =	vld.idx.msk [tilespmem:v0+s16+$0x0], $0xffff;
	vm15 =	vlt.s32 v2, $0xC37F  }
0x56: {  	v63 =	vnsel vm15, $0xC37F, v2;
	_ =	sdelay $0x3  }
0x57: {  	[tilespmem:s31+$0x1A700] =	vst v0  }
0x58: {  	p1 =	seq.s32 s25, $0x19;
	v0 =	vld.idx.msk [tilespmem:v63+s16+$0x0], $0xffff  }
.Ltmp6:
0x59: {  	_ = 	snop;
	(pc) =	sbr.rel @p1 .LBB2_10-.Ltmp6, $2  }
0x5a: {  	_ =	sdelay $0x2  }
0x5b: {  	[tilespmem:s0+$0x1A700] =	vst v0  }
0x5c: {  	s0 =	sadd.s32 s25, s11  }
0x5d: {  	s2 =	smulhi.u32 $0x4EC4EC4F, s0;
	_ =	sdelay $0x1  }
0x5e: {  	s2 =	sshrl.u32 s2, $0x3  }
0x5f: {  	s2 =	smul.u32 $0x1A, s2;
	_ =	sdelay $0x1  }
0x60: {  	s0 =	ssub.s32 s0, s2  }
0x61: {  	s2 =	sshll.u32 s0, $0x4  }
0x62: {  	s8 =	sshll.u32 s0, $0x9;
	s2 =	sand.u32 $0x70, s2  }
0x63: {  	s8 =	sand.u32 $0x3000, s8;
	s13 =	sadd.s32 s1, s2  }
0x64: {  	s2 =	sxor.u32 $0x80, s29;
	s30 =	sadd.s32 s8, s13  }
0x65: {  	s31 =	simm.s32 $0x80;
	s8 =	sadd.s32 $0x100, s2;
	s13 =	sadd.s32 $0x0, s30  }
.LBB2_8:
0x66: {  	[tilespmem:s2], [sflag:$0x1] =	stream.linear.gather [hbm4b:s13+s4], $0x80, $0x38;
	[tilespmem:$0x1C700] =	vst v63  }
0x67: {  	s13 =	smov.u32 s31;
	s2 =	smov.u32 s8;
	p1 =	sne.s32 s31, $0xF80  }
.Ltmp7:
0x68: {  	s31 =	sadd.s32 $0x80, s31;
	(pc) =	sbr.rel @p1 .LBB2_8-.Ltmp7, $2  }
0x69: {  	_ =	sdelay $0x2  }
0x6a: {  	s8 =	sadd.s32 $0x100, s8;
	s13 =	sadd.s32 s13, s30  }
0x6b: {  	s0 =	smul.u32 $0x30E000, s0  }
0x6c: {  	[tilespmem:s2], [sflag:$0x1] =	stream.linear.gather [hbm4b:s13+s4], $0x80, $0x38;
	[tilespmem:$0x1C700] =	vst v63  }
0x6d: {  	s0 =	sadd.s32 s9, s0  }
0x6e: {  	s0 =	sshrl.u32 s0, $0x3  }
0x6f: {  	s0 =	sadd.s32 s3, s0  }
0x70: {  	[tilespmem:s16], [sflag:$0x2] =	stream.strided.gather [hbm4b:s0+s14], $0xC380, s15, s14, $0x38;
	[tilespmem:$0x1C700] =	vst v63  }
.LBB2_10:
0x71: {  	s0 =	simm.s32 $0x0  }
0x72: {  	_ =	swait.ge [sflag:s20], $0xC380;
	s2 =	sand.u32 $0x70, s0;
	s0 =	sand.u32 $0x1F00, s0  }
0x73: {  	[sflag:s20] =	ssyncset.done $0x0;
	s0 =	sor.u32 s2, s0  }
0x74: {  	[sflag:s20] =	ssyncadd.s32 $0xFFFF3C80;
	s30 =	sor.u32 s29, s0  }
0x75: {  	v0 =	vld [tilespmem:s30+$0x0];
	_ =	sdelay $0x2  }
0x76: {  	s8 =	simm.s32 $0x20;
	s2 =	simm.s32 $0x10  }
0x77: {  	s0 =	sand.u32 $0x70, s2;
	s2 =	sand.u32 $0x1F00, s8  }
0x78: {  	s0 =	sor.u32 s0, s2;
	v1 =	vadd.s32 $0xFFFF3C80, v0  }
0x79: {  	s31 =	sor.u32 s29, s0;
	vm0 =	vgt.s32 v1, $0x0  }
0x7a: {  	v2 =	vnsel vm0, $0x0, v1;
	v1 =	vld [tilespmem:s31+$0x0];
	_ =	sdelay $0x3  }
0x7b: {  	s13 =	simm.s32 $0x20;
	v3 =	vld [tilespmem:s30+$0x1A700];
	s0 =	simm.s32 $0x40  }
0x7c: {  	s8 =	sand.u32 $0x70, s13;
	s2 =	simm.s32 $0x30;
	s13 =	sand.u32 $0x1F00, s0;
	v2 =	vld.idx.msk [tilespmem:v2+s17+$0x0], $0xffff;
	v4 =	vadd.s32 $0xFFFF3C80, v1  }
.LBB2_11:
0x7d: {  	p1 =	sne.s32 s2, $0xFF0;
	s8 =	sor.u32 s8, s13;
	vm0 =	vgt.s32 v4, $0x0  }
0x7e: {  	s8 =	sor.u32 s29, s8;
	v4 =	vnsel vm0, $0x0, v4  }
0x7f: {  	v5 =	vld [tilespmem:s8+$0x0]  }
.Ltmp8:
0x80: {  	vm0 =	vgt.s32 v0, $0xC37F;
	v0 =	vmov v1;
	(pc) =	sbr.rel @p1 .LBB2_11-.Ltmp8, $4  }
0x81: {  	v1 =	vsel vm0, v2, v3  }
0x82: {  	[tilespmem:s30+$0x1A700] =	vst v1;
	s30 =	smov.u32 s31;
	s31 =	smov.u32 s8  }
0x83: {  	s0 =	sadd.s32 $0x20, s0;
	v2 =	vld.idx.msk [tilespmem:v4+s17+$0x0], $0xffff  }
0x84: {  	s13 =	sand.u32 $0x1F00, s0;
	s8 =	sand.u32 $0x70, s2;
	s2 =	sadd.s32 $0x10, s2;
	v4 =	vadd.s32 $0xFFFF3C80, v5;
	v3 =	vld [tilespmem:s30+$0x1A700];
	v1 =	vmov v5  }
0x85: {  	vm0 =	vgt.s32 v4, $0x0  }
0x86: {  	s0 =	sor.u32 s8, s13;
	v4 =	vnsel vm0, $0x0, v4  }
0x87: {  	s0 =	sor.u32 s29, s0  }
0x88: {  	vm12 =	vgt.s32 v0, $0xC37F;
	v5 =	vld [tilespmem:s0+$0x0]  }
0x89: {  	v0 =	vsel vm12, v2, v3  }
0x8a: {  	[tilespmem:s30+$0x1A700] =	vst v0  }
0x8b: {  	v0 =	vld.idx.msk [tilespmem:v4+s17+$0x0], $0xffff  }
0x8c: {  	v62 =	vld [tilespmem:s31+$0x1A700]  }
0x8d: {  	v61 =	vadd.s32 $0xFFFF3C80, v5  }
0x8e: {  	vm13 =	vgt.s32 v61, $0x0  }
0x8f: {  	v2 =	vnsel vm13, $0x0, v61  }
0x90: {  	vm14 =	vgt.s32 v1, $0xC37F  }
0x91: {  	v0 =	vsel vm14, v0, v62  }
0x92: {  	[tilespmem:s31+$0x1A700] =	vst v0  }
0x93: {  	v63 =	vld [tilespmem:s0+$0x1A700]  }
0x94: {  	v0 =	vld.idx.msk [tilespmem:v2+s17+$0x0], $0xffff  }
0x95: {  	p1 =	sne.s32 s26, $0x0  }
.Ltmp9:
0x96: {  	_ = 	snop;
	(pc) =	sbr.rel @p1 .LBB2_16-.Ltmp9, $4  }
0x97: {  	_ = 	snop  }
0x98: {  	vm15 =	vgt.s32 v5, $0xC37F  }
0x99: {  	s2 =	sshll.u32 s28, $0x9;
	v0 =	vsel vm15, v0, v63  }
0x9a: {  	[tilespmem:s0+$0x1A700] =	vst v0;
	s0 =	sand.u32 $0x7F000, s2  }
0x9b: {  	s2 =	sadd.s32 s0, s12;
	s26 =	simm.s32 $0x1A700  }
0x9c: {  	s28 =	simm.s32 $0x80;
	s8 =	simm.s32 $0x1A800;
	s13 =	sadd.s32 $0x0, s2  }
.LBB2_14:
0x9d: {  	[hbm4b:s13+s4] =	stream.linear.scatter [tilespmem:s26], [sflag:$0x4], $0x80, $0x38;
	[tilespmem:$0x1C700] =	vst v63  }
0x9e: {  	s13 =	smov.u32 s28;
	s26 =	smov.u32 s8;
	p1 =	sne.s32 s28, $0xF80  }
.Ltmp10:
0x9f: {  	s28 =	sadd.s32 $0x80, s28;
	(pc) =	sbr.rel @p1 .LBB2_14-.Ltmp10, $2  }
0xa0: {  	_ =	sdelay $0x2  }
0xa1: {  	s8 =	sadd.s32 $0x100, s8;
	s13 =	sadd.s32 s13, s2  }
0xa2: {  	[hbm4b:s13+s4] =	stream.linear.scatter [tilespmem:s26], [sflag:$0x4], $0x80, $0x38;
	[tilespmem:$0x1C700] =	vst v63  }
.LBB2_16:
.Ltmp11:
0xa3: {  	(pc) =	sbr.rel @!p0 .LBB2_20-.Ltmp11, $1  }
0xa4: {  	_ =	sdelay $0x3  }
0xa5: {  	s0 =	sadd.s32 s0, s12;
	s2 =	simm.s32 $0x1A780  }
0xa6: {  	s26 =	simm.s32 $0x80;
	s8 =	simm.s32 $0x1A880;
	s13 =	sadd.s32 $0x0, s0  }
.LBB2_18:
0xa7: {  	[hbm4b:s13+s4] =	stream.linear.scatter [tilespmem:s2], [sflag:$0x5], $0x80, $0x38;
	[tilespmem:$0x1C700] =	vst v63  }
0xa8: {  	s13 =	smov.u32 s26;
	s2 =	smov.u32 s8;
	p0 =	sne.s32 s26, $0xF80  }
.Ltmp12:
0xa9: {  	s26 =	sadd.s32 $0x80, s26;
	(pc) =	sbr.rel @p0 .LBB2_18-.Ltmp12, $2  }
0xaa: {  	_ =	sdelay $0x2  }
0xab: {  	s8 =	sadd.s32 $0x100, s8;
	s13 =	sadd.s32 s13, s0  }
.Ltmp13:
0xac: {  	(pc) =	sbr.rel .LBB2_20-.Ltmp13, $2  }
0xad: {  	_ =	sdelay $0x2  }
0xae: {  	[hbm4b:s13+s4] =	stream.linear.scatter [tilespmem:s2], [sflag:$0x5], $0x80, $0x38;
	[tilespmem:$0x1C700] =	vst v63  }
.LBB2_22:
0xaf: {  	_ =	sfence.sel $0x180000  }
0xb0: {  	[bflag:$0x0] =	sbarrier.arrive $0xFFFF  }
0xb1: {  	_ =	strace $0x90000047  }
0xb2: {  	s0 =	stileid.u32;
	[bflag:$0x2] =	sbarrier.arrive $0xFFFF  }
0xb3: {  	p0 =	sne.s32 s0, $0x0;
	s0 =	rddreg [dreg:$0x3]  }
0xb4: {  	s0 =	sadd.s32 @!p0 $0x100000, s0  }
0xb5: {  	[sflag:s0] =	ssyncadd.tile.s32 @!p0 $0x1;
	_ =	shalt  }
.Lfunc_end2:
_tile_overlayer_lowered:
.L_overlay_start_2:
0xb6: {  	(tag) =	ssettag $0x2  }
0xb7: {  	s0 =	rddreg [dreg:$0x0];
	s2 =	stileid.u32  }
0xb8: {  	s1 =	rddreg [dreg:$0x1];
	p0 =	sne.s32 s2, $0x0  }
0xb9: {  	s3 =	rddreg [dreg:$0x2];
	[bflag:$0x3] =	sbarrier.arrive $0xFFFF;
	s2 =	simm.s32 @!p0 $0x1C06  }
0xba: {  	[timem:s3], [sflag:s2] =	dma.local @!p0 [hbm:s0], s1  }
0xbb: {  	s0 =	simm.s32 @!p0 $0x6  }
0xbc: {  	_ =	swait.ge @!p0 [sflag:s0], s1  }
0xbd: {  	s1 =	ssub.s32 @!p0 $0x0, s1;
	[sflag:s0] =	ssyncset.done @!p0 $0x0  }
0xbe: {  	[sflag:s0] =	ssyncadd.s32 @!p0 s1  }
0xbf: {  	[bflag:$0x3] =	sbarrier.arrive $0xFFFF  }
0xc0: {  	_ =	shalt  }

</sc_bundles>
